<compile_context>
chip_gen: v7x
topology: tpu7x:2x2x1
jax: 0.10.2.dev20260603
libtpu: 0.0.44.dev20260713+nightly
codegen_flags: <defaults>
</compile_context>

<pallas_src>
import jax
import jax.numpy as jnp
from jax import lax
from jax.experimental import pallas as pl
from jax.experimental.pallas import tpu as pltpu
from jax.experimental.pallas import tpu_sc as plsc

_C = 256
_M = 128
_H = 512
_W = 512
_NW = 32
_CPT = _M // _NW
_RC = 64
_KC = _H // _RC
_NT = _CPT * _KC
_L = 16


def _sc_body(model_hbm, cm_hbm, out_hbm, cm_v, spbuf, gsem0, gsem1,
             ssem0, ssem1):
    cid = lax.axis_index("c")
    sid = lax.axis_index("s")
    wid = sid * 2 + cid
    ch0 = wid * _CPT

    iota = lax.broadcasted_iota(jnp.int32, (_L,), 0)
    cm_v[pl.ds(0, _L)] = jnp.minimum(ch0 + iota, _M - 1)
    pltpu.async_copy(cm_hbm.at[cm_v.at[pl.ds(0, _L)]],
                     cm_v.at[pl.ds(_L, _L)], gsem0).wait()
    cvec = cm_v[pl.ds(_L, _L)]
    cvals = [cvec[j] for j in range(_CPT)]

    def src_chan(n):
        j = lax.shift_right_logical(n, 3)
        c = cvals[0]
        for jj in range(1, _CPT):
            c = jnp.where(j == jj, cvals[jj], c)
        return c

    def g_start(n, slot, sem):
        c = src_chan(n)
        r0 = jnp.bitwise_and(n, _KC - 1) * _RC
        pltpu.async_copy(model_hbm.at[c, pl.ds(r0, _RC)],
                         spbuf.at[sid, slot], sem)

    def g_wait(slot, sem):
        pltpu.make_async_copy(model_hbm.at[0, pl.ds(0, _RC)],
                              spbuf.at[sid, slot], sem).wait()

    def s_start(n, slot, sem):
        o = ch0 + lax.shift_right_logical(n, 3)
        r0 = jnp.bitwise_and(n, _KC - 1) * _RC
        pltpu.async_copy(spbuf.at[sid, slot],
                         out_hbm.at[o, pl.ds(r0, _RC)], sem)

    def s_wait(slot, sem):
        pltpu.make_async_copy(spbuf.at[sid, slot],
                              out_hbm.at[0, pl.ds(0, _RC)], sem).wait()

    g_start(0, 0, gsem0)

    def pair_body(i, carry):
        n0 = 2 * i

        @pl.when(i > 0)
        def _():
            s_wait(1, ssem1)

        g_start(n0 + 1, 1, gsem1)
        g_wait(0, gsem0)
        s_start(n0, 0, ssem0)

        @pl.when(i < _NT // 2 - 1)
        def _():
            s_wait(0, ssem0)
            g_start(n0 + 2, 0, gsem0)

        g_wait(1, gsem1)
        s_start(n0 + 1, 1, ssem1)
        return carry

    lax.fori_loop(0, _NT // 2, pair_body, 0)
    s_wait(0, ssem0)
    s_wait(1, ssem1)


@jax.jit
def _sc_gather(model, channel_map):
    mesh = plsc.VectorSubcoreMesh(core_axis_name="c", subcore_axis_name="s")
    return pl.kernel(
        _sc_body,
        mesh=mesh,
        out_type=jax.ShapeDtypeStruct((_M, _H, _W), jnp.float32),
        scratch_types=[
            pltpu.VMEM((2 * _L,), jnp.int32),
            pltpu.VMEM_SHARED((16, 2, _RC, _W), jnp.float32),
            pltpu.SemaphoreType.DMA,
            pltpu.SemaphoreType.DMA,
            pltpu.SemaphoreType.DMA,
            pltpu.SemaphoreType.DMA,
        ],
    )(model, channel_map)


def kernel(model, channel_map):
    return _sc_gather(model, channel_map.astype(jnp.int32))

# --- scband reference (transcript-rebuilt; emitter-appended) ---
"""Pipeline reference for scband-channel-renderer-1039382086218 (READ-ONLY COPY).

The authoritative reference and input builder live on the scoring server;
editing this copy changes nothing except your own understanding.
"""

import jax, jax.numpy as jnp
import numpy as np


def setup_inputs(seed: int = 0) -> dict:
    key = jax.random.key(seed)
    # Hyperspectral model cube: [C_model, H, W]
    model = jax.random.normal(jax.random.fold_in(key, 0), (256, 512, 512), dtype=jnp.float32)
    # channel_map derived at __init__ from model_frame/obs_frame channel lists.
    # Non-contiguous (every other channel) so it remains a list/index gather,
    # not a slice. Values are sorted, in-range [0, 256).
    channel_map = jnp.asarray(np.arange(0, 256, 2), dtype=jnp.int32)
    return {"model": model, "channel_map": channel_map}


def reference(model, channel_map):
    # ChannelRenderer.__call__ with a list channel_map:
    #   return model[self.channel_map, :, :]
    # which is a gather along the channel (leading) axis.
    return jnp.take(model, channel_map, axis=0)

if __name__ == "__main__":
    import jax
    _d = setup_inputs()
    print(jax.jit(kernel)(*tuple(_d.values())))

</pallas_src>

<mosaic_0001>
#map = affine_map<(d0, d1) -> (0, 0, 0)>
#map1 = affine_map<(d0, d1) -> (0)>
module attributes {stable_mosaic.version = 14 : i64} {
  func.func @_sc_body(%arg0: i32, %arg1: i32, %arg2: memref<256x512x512xf32, #tpu.memory_space<hbm>>, %arg3: memref<128xi32, #tpu.memory_space<hbm>>, %arg4: memref<128x512x512xf32, #tpu.memory_space<hbm>>, %arg5: memref<32xi32, #tpu.memory_space<vmem>>, %arg6: memref<16x2x64x512xf32, #tpu.memory_space<vmem_shared>>, %arg7: memref<!tpu.dma_semaphore, #tpu.memory_space<semaphore_mem>>, %arg8: memref<!tpu.dma_semaphore, #tpu.memory_space<semaphore_mem>>, %arg9: memref<!tpu.dma_semaphore, #tpu.memory_space<semaphore_mem>>, %arg10: memref<!tpu.dma_semaphore, #tpu.memory_space<semaphore_mem>>) attributes {dimension_semantics = [#tpu.dimension_semantics<core_parallel>, #tpu.dimension_semantics<subcore_parallel>], iteration_bounds = array<i64: 2, 16>, scalar_prefetch = 0 : i64, scratch_operands = 6 : i64, tpu.core_type = #tpu.core_type<sc_vector_subcore>, window_params = [{transform_indices = #map}, {transform_indices = #map1}, {transform_indices = #map}]} {
    %mul3A = arith.constant 2 : i32
    %mul3A_0 = arith.muli %arg1, %mul3A : i32
    %add3A = arith.addi %mul3A_0, %arg0 : i32
    %mul3A_1 = arith.constant 4 : i32
    %mul3A_2 = arith.muli %add3A, %mul3A_1 : i32
    %iota3A = tpu.iota {dimensions = array<i32: 0>} : vector<16xi32>
    %add3A_3 = vector.broadcast %mul3A_2 : i32 to vector<16xi32>
    %add3A_4 = arith.addi %add3A_3, %iota3A : vector<16xi32>
    %min3A = arith.constant 127 : i32
    %min3A_5 = vector.broadcast %min3A : i32 to vector<16xi32>
    %min3A_6 = arith.minsi %add3A_4, %min3A_5 : vector<16xi32>
    %swap3A = arith.constant 0 : index
    %swap3A_7 = tpu.vector_load %arg5[%swap3A] {strides = array<i32>} : memref<32xi32, #tpu.memory_space<vmem>>, vector<16xi32>,
    %swap3A_8 = vector.shape_cast %swap3A_7 : vector<16xi32> to vector<16xi32>
    %swap3A_9 = vector.shape_cast %min3A_6 : vector<16xi32> to vector<16xi32>
    tpu.vector_store %arg5[%swap3A], %swap3A_9 {strides = array<i32>} : memref<32xi32, #tpu.memory_space<vmem>>, vector<16xi32>,
    %dma_start3A = arith.constant 16 : i32
    %dma_start3A_10 = tpu.memref_slice %arg5[%dma_start3A] : memref<32xi32, #tpu.memory_space<vmem>> -> memref<16xi32, #tpu.memory_space<vmem>>
    %dma_start3A_11 = arith.constant 0 : i32
    %dma_start3A_12 = tpu.memref_slice %arg5[%dma_start3A_11] : memref<32xi32, #tpu.memory_space<vmem>> -> memref<16xi32, #tpu.memory_space<vmem>>
    %dma_start3A_13 = arith.constant 0 : i32
    %dma_start3A_14 = tpu.memref_slice %arg3[%dma_start3A_13] : memref<128xi32, #tpu.memory_space<hbm>> -> memref<128xi32, #tpu.memory_space<hbm>>
    tpu.enqueue_indirect_dma source(%dma_start3A_14 : memref<128xi32, #tpu.memory_space<hbm>>) target(%dma_start3A_10 : memref<16xi32, #tpu.memory_space<vmem>>) offsets(%dma_start3A_12 : memref<16xi32, #tpu.memory_space<vmem>>) semaphore(%arg7 : memref<!tpu.dma_semaphore, #tpu.memory_space<semaphore_mem>>)
    %dma_wait3A = arith.constant 16 : i32
    %dma_wait3A_15 = tpu.memref_slice %arg5[%dma_wait3A] : memref<32xi32, #tpu.memory_space<vmem>> -> memref<16xi32, #tpu.memory_space<vmem>>
    %dma_wait3A_16 = arith.constant 0 : i32
    %dma_wait3A_17 = tpu.memref_slice %arg5[%dma_wait3A_16] : memref<32xi32, #tpu.memory_space<vmem>> -> memref<16xi32, #tpu.memory_space<vmem>>
    %dma_wait3A_18 = arith.constant 0 : i32
    %dma_wait3A_19 = tpu.memref_slice %arg3[%dma_wait3A_18] : memref<128xi32, #tpu.memory_space<hbm>> -> memref<128xi32, #tpu.memory_space<hbm>>
    tpu.wait_indirect_dma semaphore(%arg7 : memref<!tpu.dma_semaphore, #tpu.memory_space<semaphore_mem>>) src(%dma_wait3A_19 : memref<128xi32, #tpu.memory_space<hbm>>) dst(%dma_wait3A_15 : memref<16xi32, #tpu.memory_space<vmem>>)
    %get3A = arith.constant 16 : index
    %get3A_20 = tpu.vector_load %arg5[%get3A] {strides = array<i32>} : memref<32xi32, #tpu.memory_space<vmem>>, vector<16xi32>,
    %get3A_21 = vector.shape_cast %get3A_20 : vector<16xi32> to vector<16xi32>
    %slice3A = vector.extract_strided_slice %get3A_21 {offsets = [0], sizes = [1], strides = [1]} : vector<16xi32> to vector<1xi32>
    %squeeze3A = vector.extract %slice3A[0] : i32 from vector<1xi32>
    %slice3A_22 = vector.extract_strided_slice %get3A_21 {offsets = [1], sizes = [1], strides = [1]} : vector<16xi32> to vector<1xi32>
    %squeeze3A_23 = vector.extract %slice3A_22[0] : i32 from vector<1xi32>
    %slice3A_24 = vector.extract_strided_slice %get3A_21 {offsets = [2], sizes = [1], strides = [1]} : vector<16xi32> to vector<1xi32>
    %squeeze3A_25 = vector.extract %slice3A_24[0] : i32 from vector<1xi32>
    %slice3A_26 = vector.extract_strided_slice %get3A_21 {offsets = [3], sizes = [1], strides = [1]} : vector<16xi32> to vector<1xi32>
    %squeeze3A_27 = vector.extract %slice3A_26[0] : i32 from vector<1xi32>
    %shift_right_logical3A = arith.constant 0 : i32
    %shift_right_logical3A_28 = arith.constant 3 : i32
    %shift_right_logical3A_29 = arith.shrui %shift_right_logical3A, %shift_right_logical3A_28 : i32
    %eq3A = arith.constant 1 : i32
    %eq3A_30 = arith.cmpi eq, %shift_right_logical3A_29, %eq3A : i32
    %select_n3A = arith.select %eq3A_30, %squeeze3A_23, %squeeze3A : i32
    %eq3A_31 = arith.constant 2 : i32
    %eq3A_32 = arith.cmpi eq, %shift_right_logical3A_29, %eq3A_31 : i32
    %select_n3A_33 = arith.select %eq3A_32, %squeeze3A_25, %select_n3A : i32
    %eq3A_34 = arith.constant 3 : i32
    %eq3A_35 = arith.cmpi eq, %shift_right_logical3A_29, %eq3A_34 : i32
    %select_n3A_36 = arith.select %eq3A_35, %squeeze3A_27, %select_n3A_33 : i32
    %and3A = arith.constant 0 : i32
    %and3A_37 = arith.constant 7 : i32
    %and3A_38 = arith.andi %and3A, %and3A_37 : i32
    %mul3A_39 = arith.constant 64 : i32
    %mul3A_40 = arith.muli %and3A_38, %mul3A_39 : i32
    %dma_start3A_41 = arith.constant 0 : i32
    %dma_start3A_42 = arith.constant 0 : i32
    %dma_start3A_43 = arith.constant 0 : i32
    %dma_start3A_44 = tpu.memref_slice %arg6[%arg1, %dma_start3A_41, %dma_start3A_42, %dma_start3A_43] : memref<16x2x64x512xf32, #tpu.memory_space<vmem_shared>> -> memref<1x1x64x512xf32, #tpu.memory_space<vmem_shared>>
    %dma_start3A_45 = tpu.memref_squeeze %dma_start3A_44 : memref<1x1x64x512xf32, #tpu.memory_space<vmem_shared>> -> memref<64x512xf32, #tpu.memory_space<vmem_shared>>
    %dma_start3A_46 = arith.constant 0 : i32
    %dma_start3A_47 = tpu.memref_slice %arg2[%select_n3A_36, %mul3A_40, %dma_start3A_46] : memref<256x512x512xf32, #tpu.memory_space<hbm>> -> memref<1x64x512xf32, #tpu.memory_space<hbm>>
    %dma_start3A_48 = tpu.memref_squeeze %dma_start3A_47 : memref<1x64x512xf32, #tpu.memory_space<hbm>> -> memref<64x512xf32, #tpu.memory_space<hbm>>
    tpu.enqueue_dma source(%dma_start3A_48 : memref<64x512xf32, #tpu.memory_space<hbm>>) target(%dma_start3A_45 : memref<64x512xf32, #tpu.memory_space<vmem_shared>>) target_semaphore(%arg7 : memref<!tpu.dma_semaphore, #tpu.memory_space<semaphore_mem>>)
    %scan3A = arith.constant 0 : i32
    %scan3A_49 = arith.constant 0 : i32
    %scan3A_50 = arith.constant 16 : i32
    %scan3A_51 = arith.addi %scan3A_49, %scan3A_50 : i32
    %scan3A_52 = arith.constant 1 : i32
    scf.for %scan3A_74 = %scan3A_49 to %scan3A_51 step %scan3A_52  : i32 {
      %mul3A_75 = arith.constant 2 : i32
      %mul3A_76 = arith.muli %mul3A_75, %scan3A_74 : i32
      %gt3A = arith.constant 0 : i32
      %gt3A_77 = arith.cmpi sgt, %scan3A_74, %gt3A : i32
      %convert_element_type3A = arith.extui %gt3A_77 : i1 to i32
      %cond3A = arith.constant 0 : i32
      %cond3A_78 = arith.cmpi ne, %convert_element_type3A, %cond3A : i32
      scf.if %cond3A_78 {
        %dma_wait3A_160 = arith.constant 1 : i32
        %dma_wait3A_161 = arith.constant 0 : i32
        %dma_wait3A_162 = arith.constant 0 : i32
        %dma_wait3A_163 = arith.constant 0 : i32
        %dma_wait3A_164 = tpu.memref_slice %arg4[%dma_wait3A_161, %dma_wait3A_162, %dma_wait3A_163] : memref<128x512x512xf32, #tpu.memory_space<hbm>> -> memref<1x64x512xf32, #tpu.memory_space<hbm>>
        %dma_wait3A_165 = tpu.memref_squeeze %dma_wait3A_164 : memref<1x64x512xf32, #tpu.memory_space<hbm>> -> memref<64x512xf32, #tpu.memory_space<hbm>>
        %dma_wait3A_166 = arith.constant 0 : i32
        %dma_wait3A_167 = arith.constant 0 : i32
        %dma_wait3A_168 = tpu.memref_slice %arg6[%arg1, %dma_wait3A_160, %dma_wait3A_166, %dma_wait3A_167] : memref<16x2x64x512xf32, #tpu.memory_space<vmem_shared>> -> memref<1x1x64x512xf32, #tpu.memory_space<vmem_shared>>
        %dma_wait3A_169 = tpu.memref_squeeze %dma_wait3A_168 : memref<1x1x64x512xf32, #tpu.memory_space<vmem_shared>> -> memref<64x512xf32, #tpu.memory_space<vmem_shared>>
        tpu.wait_dma2 semaphore(%arg10 : memref<!tpu.dma_semaphore, #tpu.memory_space<semaphore_mem>>) src(%dma_wait3A_169 : memref<64x512xf32, #tpu.memory_space<vmem_shared>>) dst(%dma_wait3A_165 : memref<64x512xf32, #tpu.memory_space<hbm>>)
      } else {
      }
      %add3A_79 = arith.constant 1 : i32
      %add3A_80 = arith.addi %mul3A_76, %add3A_79 : i32
      %shift_right_logical3A_81 = arith.constant 3 : i32
      %shift_right_logical3A_82 = arith.shrui %add3A_80, %shift_right_logical3A_81 : i32
      %eq3A_83 = arith.constant 1 : i32
      %eq3A_84 = arith.cmpi eq, %shift_right_logical3A_82, %eq3A_83 : i32
      %select_n3A_85 = arith.select %eq3A_84, %squeeze3A_23, %squeeze3A : i32
      %eq3A_86 = arith.constant 2 : i32
      %eq3A_87 = arith.cmpi eq, %shift_right_logical3A_82, %eq3A_86 : i32
      %select_n3A_88 = arith.select %eq3A_87, %squeeze3A_25, %select_n3A_85 : i32
      %eq3A_89 = arith.constant 3 : i32
      %eq3A_90 = arith.cmpi eq, %shift_right_logical3A_82, %eq3A_89 : i32
      %select_n3A_91 = arith.select %eq3A_90, %squeeze3A_27, %select_n3A_88 : i32
      %and3A_92 = arith.constant 7 : i32
      %and3A_93 = arith.andi %add3A_80, %and3A_92 : i32
      %mul3A_94 = arith.constant 64 : i32
      %mul3A_95 = arith.muli %and3A_93, %mul3A_94 : i32
      %dma_start3A_96 = arith.constant 1 : i32
      %dma_start3A_97 = arith.constant 0 : i32
      %dma_start3A_98 = arith.constant 0 : i32
      %dma_start3A_99 = tpu.memref_slice %arg6[%arg1, %dma_start3A_96, %dma_start3A_97, %dma_start3A_98] : memref<16x2x64x512xf32, #tpu.memory_space<vmem_shared>> -> memref<1x1x64x512xf32, #tpu.memory_space<vmem_shared>>
      %dma_start3A_100 = tpu.memref_squeeze %dma_start3A_99 : memref<1x1x64x512xf32, #tpu.memory_space<vmem_shared>> -> memref<64x512xf32, #tpu.memory_space<vmem_shared>>
      %dma_start3A_101 = arith.constant 0 : i32
      %dma_start3A_102 = tpu.memref_slice %arg2[%select_n3A_91, %mul3A_95, %dma_start3A_101] : memref<256x512x512xf32, #tpu.memory_space<hbm>> -> memref<1x64x512xf32, #tpu.memory_space<hbm>>
      %dma_start3A_103 = tpu.memref_squeeze %dma_start3A_102 : memref<1x64x512xf32, #tpu.memory_space<hbm>> -> memref<64x512xf32, #tpu.memory_space<hbm>>
      tpu.enqueue_dma source(%dma_start3A_103 : memref<64x512xf32, #tpu.memory_space<hbm>>) target(%dma_start3A_100 : memref<64x512xf32, #tpu.memory_space<vmem_shared>>) target_semaphore(%arg8 : memref<!tpu.dma_semaphore, #tpu.memory_space<semaphore_mem>>)
      %dma_wait3A_104 = arith.constant 0 : i32
      %dma_wait3A_105 = arith.constant 0 : i32
      %dma_wait3A_106 = arith.constant 0 : i32
      %dma_wait3A_107 = arith.constant 0 : i32
      %dma_wait3A_108 = tpu.memref_slice %arg6[%arg1, %dma_wait3A_105, %dma_wait3A_106, %dma_wait3A_107] : memref<16x2x64x512xf32, #tpu.memory_space<vmem_shared>> -> memref<1x1x64x512xf32, #tpu.memory_space<vmem_shared>>
      %dma_wait3A_109 = tpu.memref_squeeze %dma_wait3A_108 : memref<1x1x64x512xf32, #tpu.memory_space<vmem_shared>> -> memref<64x512xf32, #tpu.memory_space<vmem_shared>>
      %dma_wait3A_110 = arith.constant 0 : i32
      %dma_wait3A_111 = arith.constant 0 : i32
      %dma_wait3A_112 = tpu.memref_slice %arg2[%dma_wait3A_104, %dma_wait3A_110, %dma_wait3A_111] : memref<256x512x512xf32, #tpu.memory_space<hbm>> -> memref<1x64x512xf32, #tpu.memory_space<hbm>>
      %dma_wait3A_113 = tpu.memref_squeeze %dma_wait3A_112 : memref<1x64x512xf32, #tpu.memory_space<hbm>> -> memref<64x512xf32, #tpu.memory_space<hbm>>
      tpu.wait_dma2 semaphore(%arg7 : memref<!tpu.dma_semaphore, #tpu.memory_space<semaphore_mem>>) src(%dma_wait3A_113 : memref<64x512xf32, #tpu.memory_space<hbm>>) dst(%dma_wait3A_109 : memref<64x512xf32, #tpu.memory_space<vmem_shared>>)
      %shift_right_logical3A_114 = arith.constant 3 : i32
      %shift_right_logical3A_115 = arith.shrui %mul3A_76, %shift_right_logical3A_114 : i32
      %add3A_116 = arith.addi %mul3A_2, %shift_right_logical3A_115 : i32
      %and3A_117 = arith.constant 7 : i32
      %and3A_118 = arith.andi %mul3A_76, %and3A_117 : i32
      %mul3A_119 = arith.constant 64 : i32
      %mul3A_120 = arith.muli %and3A_118, %mul3A_119 : i32
      %dma_start3A_121 = arith.constant 0 : i32
      %dma_start3A_122 = arith.constant 0 : i32
      %dma_start3A_123 = tpu.memref_slice %arg4[%add3A_116, %mul3A_120, %dma_start3A_122] : memref<128x512x512xf32, #tpu.memory_space<hbm>> -> memref<1x64x512xf32, #tpu.memory_space<hbm>>
      %dma_start3A_124 = tpu.memref_squeeze %dma_start3A_123 : memref<1x64x512xf32, #tpu.memory_space<hbm>> -> memref<64x512xf32, #tpu.memory_space<hbm>>
      %dma_start3A_125 = arith.constant 0 : i32
      %dma_start3A_126 = arith.constant 0 : i32
      %dma_start3A_127 = tpu.memref_slice %arg6[%arg1, %dma_start3A_121, %dma_start3A_125, %dma_start3A_126] : memref<16x2x64x512xf32, #tpu.memory_space<vmem_shared>> -> memref<1x1x64x512xf32, #tpu.memory_space<vmem_shared>>
      %dma_start3A_128 = tpu.memref_squeeze %dma_start3A_127 : memref<1x1x64x512xf32, #tpu.memory_space<vmem_shared>> -> memref<64x512xf32, #tpu.memory_space<vmem_shared>>
      tpu.enqueue_dma source(%dma_start3A_128 : memref<64x512xf32, #tpu.memory_space<vmem_shared>>) target(%dma_start3A_124 : memref<64x512xf32, #tpu.memory_space<hbm>>) target_semaphore(%arg9 : memref<!tpu.dma_semaphore, #tpu.memory_space<semaphore_mem>>)
      %lt3A = arith.constant 15 : i32
      %lt3A_129 = arith.cmpi slt, %scan3A_74, %lt3A : i32
      %convert_element_type3A_130 = arith.extui %lt3A_129 : i1 to i32
      %cond3A_131 = arith.constant 0 : i32
      %cond3A_132 = arith.cmpi ne, %convert_element_type3A_130, %cond3A_131 : i32
      scf.if %cond3A_132 {
        %dma_wait3A_160 = arith.constant 0 : i32
        %dma_wait3A_161 = arith.constant 0 : i32
        %dma_wait3A_162 = arith.constant 0 : i32
        %dma_wait3A_163 = arith.constant 0 : i32
        %dma_wait3A_164 = tpu.memref_slice %arg4[%dma_wait3A_161, %dma_wait3A_162, %dma_wait3A_163] : memref<128x512x512xf32, #tpu.memory_space<hbm>> -> memref<1x64x512xf32, #tpu.memory_space<hbm>>
        %dma_wait3A_165 = tpu.memref_squeeze %dma_wait3A_164 : memref<1x64x512xf32, #tpu.memory_space<hbm>> -> memref<64x512xf32, #tpu.memory_space<hbm>>
        %dma_wait3A_166 = arith.constant 0 : i32
        %dma_wait3A_167 = arith.constant 0 : i32
        %dma_wait3A_168 = tpu.memref_slice %arg6[%arg1, %dma_wait3A_160, %dma_wait3A_166, %dma_wait3A_167] : memref<16x2x64x512xf32, #tpu.memory_space<vmem_shared>> -> memref<1x1x64x512xf32, #tpu.memory_space<vmem_shared>>
        %dma_wait3A_169 = tpu.memref_squeeze %dma_wait3A_168 : memref<1x1x64x512xf32, #tpu.memory_space<vmem_shared>> -> memref<64x512xf32, #tpu.memory_space<vmem_shared>>
        tpu.wait_dma2 semaphore(%arg9 : memref<!tpu.dma_semaphore, #tpu.memory_space<semaphore_mem>>) src(%dma_wait3A_169 : memref<64x512xf32, #tpu.memory_space<vmem_shared>>) dst(%dma_wait3A_165 : memref<64x512xf32, #tpu.memory_space<hbm>>)
        %add3A_170 = arith.constant 2 : i32
        %add3A_171 = arith.addi %mul3A_76, %add3A_170 : i32
        %shift_right_logical3A_172 = arith.constant 3 : i32
        %shift_right_logical3A_173 = arith.shrui %add3A_171, %shift_right_logical3A_172 : i32
        %eq3A_174 = arith.constant 1 : i32
        %eq3A_175 = arith.cmpi eq, %shift_right_logical3A_173, %eq3A_174 : i32
        %select_n3A_176 = arith.select %eq3A_175, %squeeze3A_23, %squeeze3A : i32
        %eq3A_177 = arith.constant 2 : i32
        %eq3A_178 = arith.cmpi eq, %shift_right_logical3A_173, %eq3A_177 : i32
        %select_n3A_179 = arith.select %eq3A_178, %squeeze3A_25, %select_n3A_176 : i32
        %eq3A_180 = arith.constant 3 : i32
        %eq3A_181 = arith.cmpi eq, %shift_right_logical3A_173, %eq3A_180 : i32
        %select_n3A_182 = arith.select %eq3A_181, %squeeze3A_27, %select_n3A_179 : i32
        %and3A_183 = arith.constant 7 : i32
        %and3A_184 = arith.andi %add3A_171, %and3A_183 : i32
        %mul3A_185 = arith.constant 64 : i32
        %mul3A_186 = arith.muli %and3A_184, %mul3A_185 : i32
        %dma_start3A_187 = arith.constant 0 : i32
        %dma_start3A_188 = arith.constant 0 : i32
        %dma_start3A_189 = arith.constant 0 : i32
        %dma_start3A_190 = tpu.memref_slice %arg6[%arg1, %dma_start3A_187, %dma_start3A_188, %dma_start3A_189] : memref<16x2x64x512xf32, #tpu.memory_space<vmem_shared>> -> memref<1x1x64x512xf32, #tpu.memory_space<vmem_shared>>
        %dma_start3A_191 = tpu.memref_squeeze %dma_start3A_190 : memref<1x1x64x512xf32, #tpu.memory_space<vmem_shared>> -> memref<64x512xf32, #tpu.memory_space<vmem_shared>>
        %dma_start3A_192 = arith.constant 0 : i32
        %dma_start3A_193 = tpu.memref_slice %arg2[%select_n3A_182, %mul3A_186, %dma_start3A_192] : memref<256x512x512xf32, #tpu.memory_space<hbm>> -> memref<1x64x512xf32, #tpu.memory_space<hbm>>
        %dma_start3A_194 = tpu.memref_squeeze %dma_start3A_193 : memref<1x64x512xf32, #tpu.memory_space<hbm>> -> memref<64x512xf32, #tpu.memory_space<hbm>>
        tpu.enqueue_dma source(%dma_start3A_194 : memref<64x512xf32, #tpu.memory_space<hbm>>) target(%dma_start3A_191 : memref<64x512xf32, #tpu.memory_space<vmem_shared>>) target_semaphore(%arg7 : memref<!tpu.dma_semaphore, #tpu.memory_space<semaphore_mem>>)
      } else {
      }
      %dma_wait3A_133 = arith.constant 0 : i32
      %dma_wait3A_134 = arith.constant 1 : i32
      %dma_wait3A_135 = arith.constant 0 : i32
      %dma_wait3A_136 = arith.constant 0 : i32
      %dma_wait3A_137 = tpu.memref_slice %arg6[%arg1, %dma_wait3A_134, %dma_wait3A_135, %dma_wait3A_136] : memref<16x2x64x512xf32, #tpu.memory_space<vmem_shared>> -> memref<1x1x64x512xf32, #tpu.memory_space<vmem_shared>>
      %dma_wait3A_138 = tpu.memref_squeeze %dma_wait3A_137 : memref<1x1x64x512xf32, #tpu.memory_space<vmem_shared>> -> memref<64x512xf32, #tpu.memory_space<vmem_shared>>
      %dma_wait3A_139 = arith.constant 0 : i32
      %dma_wait3A_140 = arith.constant 0 : i32
      %dma_wait3A_141 = tpu.memref_slice %arg2[%dma_wait3A_133, %dma_wait3A_139, %dma_wait3A_140] : memref<256x512x512xf32, #tpu.memory_space<hbm>> -> memref<1x64x512xf32, #tpu.memory_space<hbm>>
      %dma_wait3A_142 = tpu.memref_squeeze %dma_wait3A_141 : memref<1x64x512xf32, #tpu.memory_space<hbm>> -> memref<64x512xf32, #tpu.memory_space<hbm>>
      tpu.wait_dma2 semaphore(%arg8 : memref<!tpu.dma_semaphore, #tpu.memory_space<semaphore_mem>>) src(%dma_wait3A_142 : memref<64x512xf32, #tpu.memory_space<hbm>>) dst(%dma_wait3A_138 : memref<64x512xf32, #tpu.memory_space<vmem_shared>>)
      %add3A_143 = arith.constant 1 : i32
      %add3A_144 = arith.addi %mul3A_76, %add3A_143 : i32
      %shift_right_logical3A_145 = arith.constant 3 : i32
      %shift_right_logical3A_146 = arith.shrui %add3A_144, %shift_right_logical3A_145 : i32
      %add3A_147 = arith.addi %mul3A_2, %shift_right_logical3A_146 : i32
      %and3A_148 = arith.constant 7 : i32
      %and3A_149 = arith.andi %add3A_144, %and3A_148 : i32
      %mul3A_150 = arith.constant 64 : i32
      %mul3A_151 = arith.muli %and3A_149, %mul3A_150 : i32
      %dma_start3A_152 = arith.constant 1 : i32
      %dma_start3A_153 = arith.constant 0 : i32
      %dma_start3A_154 = tpu.memref_slice %arg4[%add3A_147, %mul3A_151, %dma_start3A_153] : memref<128x512x512xf32, #tpu.memory_space<hbm>> -> memref<1x64x512xf32, #tpu.memory_space<hbm>>
      %dma_start3A_155 = tpu.memref_squeeze %dma_start3A_154 : memref<1x64x512xf32, #tpu.memory_space<hbm>> -> memref<64x512xf32, #tpu.memory_space<hbm>>
      %dma_start3A_156 = arith.constant 0 : i32
      %dma_start3A_157 = arith.constant 0 : i32
      %dma_start3A_158 = tpu.memref_slice %arg6[%arg1, %dma_start3A_152, %dma_start3A_156, %dma_start3A_157] : memref<16x2x64x512xf32, #tpu.memory_space<vmem_shared>> -> memref<1x1x64x512xf32, #tpu.memory_space<vmem_shared>>
      %dma_start3A_159 = tpu.memref_squeeze %dma_start3A_158 : memref<1x1x64x512xf32, #tpu.memory_space<vmem_shared>> -> memref<64x512xf32, #tpu.memory_space<vmem_shared>>
      tpu.enqueue_dma source(%dma_start3A_159 : memref<64x512xf32, #tpu.memory_space<vmem_shared>>) target(%dma_start3A_155 : memref<64x512xf32, #tpu.memory_space<hbm>>) target_semaphore(%arg10 : memref<!tpu.dma_semaphore, #tpu.memory_space<semaphore_mem>>)
    }
    %scan3A_53 = arith.constant 16 : i32
    %dma_wait3A_54 = arith.constant 0 : i32
    %dma_wait3A_55 = arith.constant 0 : i32
    %dma_wait3A_56 = arith.constant 0 : i32
    %dma_wait3A_57 = arith.constant 0 : i32
    %dma_wait3A_58 = tpu.memref_slice %arg4[%dma_wait3A_55, %dma_wait3A_56, %dma_wait3A_57] : memref<128x512x512xf32, #tpu.memory_space<hbm>> -> memref<1x64x512xf32, #tpu.memory_space<hbm>>
    %dma_wait3A_59 = tpu.memref_squeeze %dma_wait3A_58 : memref<1x64x512xf32, #tpu.memory_space<hbm>> -> memref<64x512xf32, #tpu.memory_space<hbm>>
    %dma_wait3A_60 = arith.constant 0 : i32
    %dma_wait3A_61 = arith.constant 0 : i32
    %dma_wait3A_62 = tpu.memref_slice %arg6[%arg1, %dma_wait3A_54, %dma_wait3A_60, %dma_wait3A_61] : memref<16x2x64x512xf32, #tpu.memory_space<vmem_shared>> -> memref<1x1x64x512xf32, #tpu.memory_space<vmem_shared>>
    %dma_wait3A_63 = tpu.memref_squeeze %dma_wait3A_62 : memref<1x1x64x512xf32, #tpu.memory_space<vmem_shared>> -> memref<64x512xf32, #tpu.memory_space<vmem_shared>>
    tpu.wait_dma2 semaphore(%arg9 : memref<!tpu.dma_semaphore, #tpu.memory_space<semaphore_mem>>) src(%dma_wait3A_63 : memref<64x512xf32, #tpu.memory_space<vmem_shared>>) dst(%dma_wait3A_59 : memref<64x512xf32, #tpu.memory_space<hbm>>)
    %dma_wait3A_64 = arith.constant 1 : i32
    %dma_wait3A_65 = arith.constant 0 : i32
    %dma_wait3A_66 = arith.constant 0 : i32
    %dma_wait3A_67 = arith.constant 0 : i32
    %dma_wait3A_68 = tpu.memref_slice %arg4[%dma_wait3A_65, %dma_wait3A_66, %dma_wait3A_67] : memref<128x512x512xf32, #tpu.memory_space<hbm>> -> memref<1x64x512xf32, #tpu.memory_space<hbm>>
    %dma_wait3A_69 = tpu.memref_squeeze %dma_wait3A_68 : memref<1x64x512xf32, #tpu.memory_space<hbm>> -> memref<64x512xf32, #tpu.memory_space<hbm>>
    %dma_wait3A_70 = arith.constant 0 : i32
    %dma_wait3A_71 = arith.constant 0 : i32
    %dma_wait3A_72 = tpu.memref_slice %arg6[%arg1, %dma_wait3A_64, %dma_wait3A_70, %dma_wait3A_71] : memref<16x2x64x512xf32, #tpu.memory_space<vmem_shared>> -> memref<1x1x64x512xf32, #tpu.memory_space<vmem_shared>>
    %dma_wait3A_73 = tpu.memref_squeeze %dma_wait3A_72 : memref<1x1x64x512xf32, #tpu.memory_space<vmem_shared>> -> memref<64x512xf32, #tpu.memory_space<vmem_shared>>
    tpu.wait_dma2 semaphore(%arg10 : memref<!tpu.dma_semaphore, #tpu.memory_space<semaphore_mem>>) src(%dma_wait3A_73 : memref<64x512xf32, #tpu.memory_space<vmem_shared>>) dst(%dma_wait3A_69 : memref<64x512xf32, #tpu.memory_space<hbm>>)
    return
  }
}

</mosaic_0001>

<sc_bundles>
// kernel: _sc_gather.3.cloned.1.call-start
scs
__scs_entry_jumppad:
0x0: {  	(pc) =	sbr.rel $0x88, $3  }
0x1: {  	(tag) =	ssettag $0x0;
	lr =	simm.s32 $0x1  }
0x2: {  	[smem:$0x3F9F] =	sst lr;
	_ =	strace $0xD0000000  }
0x3: {  	_ = 	snop  }
0x4: {  	_ = 	snop  }
0x5: {  	_ = 	snop  }
0x6: {  	_ = 	snop  }
0x7: {  	_ = 	snop  }
__scs_overlays_trampoline_lowered:
0x8: {  	[smem:$0x3FAE] =	sst s0  }
0x9: {  	[smem:$0x3FAF] =	sst s1  }
0xa: {  	[smem:$0x3FB0] =	sst s2  }
0xb: {  	[smem:$0x3FB1] =	sst s3  }
0xc: {  	[smem:$0x3FB2] =	sst s4  }
0xd: {  	[smem:$0x3FB3] =	sst s5  }
0xe: {  	[smem:$0x3FB4] =	sst s6  }
0xf: {  	[smem:$0x3FB5] =	sst s7  }
0x10: {  	[smem:$0x3FB6] =	sst s8  }
0x11: {  	[smem:$0x3FB7] =	sst s9;
	s0 =	simm.s32 @!p0 $0x0  }
0x12: {  	s1 =	sld [smem:$0x3F9D];
	s0 =	simm.s32 @p0 $0x1  }
0x13: {  	[smem:$0x3FB8] =	sst s0;
	s0 =	simm.s32 @!p1 $0x0  }
0x14: {  	s2 =	sld [smem:$0x3F9C];
	s0 =	simm.s32 @p1 $0x1  }
0x15: {  	[smem:$0x3FB9] =	sst s0;
	s0 =	simm.s32 @!p2 $0x0  }
0x16: {  	s3 =	sld [smem:$0x3FDB];
	s0 =	simm.s32 @p2 $0x1  }
0x17: {  	s4 =	simm.s32 $0x1BF5;
	[smem:$0x3FBB] =	sst s0  }
0x18: {  	s0 =	sld [smem:$0x3F9E];
	_ =	swait.ge [sflag:s4], $0x0  }
0x19: {  	s7 =	sld [smem:$0x3F9F]  }
0x1a: {  	s8 =	sadd.s32 $0xFFFFE003, lr  }
0x1b: {  	s9 =	sadd.s32 $0xFFFFFEF7, lr;
	s5 =	simm.s32 $0xFFFFFFFF;
	p2 =	slt.u32 s8, $0xFFFFF086  }
0x1c: {  	p1 =	slt.u32 s9, $0xF7A;
	s5 =	simm.s32 @!p2 $0x0  }
0x1d: {  	s5 =	simm.s32 @p1 $0x1;
	p0 =	seq.s32 s7, s2  }
0x1e: {  	s7 =	smul.u32 @!p0 $0xF7A, s2;
	p2 =	seq.s32 @!p0 s5, $0x0  }
0x1f: {  	s9 =	smul.u32 $0xF7A, s1;
	s8 =	simm.s32 @!p0 $0x1BF5;
	p2 =	por !p2, p0  }
0x20: {  	[sflag:s8] =	ssyncset.s32 @!p0 $0xFFFFF086;
	s6 =	sadd.s32 @!p0 s3, s7;
	s7 =	simm.s32 @!p0 $0x108  }
0x21: {  	s3 =	sadd.s32 s3, s9;
	s6 =	sadd.s32 @!p0 $0x88, s6;
	s7 =	simm.s32 @p2 $0x1082  }
0x22: {  	[simem:s7], [sflag:s8] =	dma.local @!p0 [hbm:s6], $0xF7A  }
0x23: {  	s9 =	sor.u32 $0xD0000000, s2;
	s6 =	simm.s32 $0x108;
	_ =	swait.ge @!p0 [sflag:s8], $0x0  }
0x24: {  	s3 =	sadd.s32 $0x88, s3;
	s6 =	simm.s32 @!p1 $0x1082;
	[sflag:s4] =	ssyncset.s32 $0xFFFFF086  }
0x25: {  	[simem:s6], [sflag:s4] =	dma.local [hbm:s3], $0xF7A  }
0x26: {  	[smem:$0x3F9F] =	sst s1;
	(tag) =	ssettag s2;
	_ =	strace s9  }
0x27: {  	s1 =	sld [smem:$0x3FAF]  }
0x28: {  	s2 =	sld [smem:$0x3FB0]  }
0x29: {  	s4 =	sld [smem:$0x3FB2]  }
0x2a: {  	p0 =	seq.s32 s5, $0x0;
	s5 =	sld [smem:$0x3FB3]  }
0x2b: {  	s6 =	sld [smem:$0x3FB4]  }
0x2c: {  	s7 =	sld [smem:$0x3FB5]  }
0x2d: {  	s3 =	simm.s32 $0x108;
	s8 =	sld [smem:$0x3FB6]  }
0x2e: {  	s3 =	simm.s32 @!p0 $0x1082;
	s9 =	sld [smem:$0x3FB7]  }
0x2f: {  	lr =	sadd.s32 s0, s3;
	s0 =	sld [smem:$0x3FAE]  }
0x30: {  	s3 =	sld [smem:$0x3FB1]  }
0x31: {  	[smem:$0x3FBA] =	sst s10  }
0x32: {  	s10 =	sld [smem:$0x3FB8];
	_ =	sdelay $0x3  }
0x33: {  	p0 =	seq.s32 s10, $0x1;
	s10 =	sld [smem:$0x3FBA];
	_ =	sdelay $0x3  }
0x34: {  	[smem:$0x3FBA] =	sst s10  }
0x35: {  	s10 =	sld [smem:$0x3FB9];
	_ =	sdelay $0x3  }
0x36: {  	p1 =	seq.s32 s10, $0x1;
	s10 =	sld [smem:$0x3FBA];
	_ =	sdelay $0x3  }
0x37: {  	[smem:$0x3FBA] =	sst s10  }
0x38: {  	s10 =	sld [smem:$0x3FBB]  }
0x39: {  	_ = 	snop;
	(pc) =	sbr.ind lr, $3  }
0x3a: {  	_ = 	snop  }
0x3b: {  	_ = 	snop  }
0x3c: {  	p2 =	seq.s32 s10, $0x1;
	s10 =	sld [smem:$0x3FBA]  }
0x3d: {  	_ =	shalt  }
0x3e: {  	_ =	shalt  }
0x3f: {  	_ =	shalt  }
0x40: {  	_ =	shalt  }
0x41: {  	_ =	shalt  }
0x42: {  	_ =	shalt  }
0x43: {  	_ =	shalt  }
0x44: {  	_ =	shalt  }
0x45: {  	_ =	shalt  }
0x46: {  	_ =	shalt  }
0x47: {  	_ =	shalt  }
0x48: {  	_ =	shalt  }
0x49: {  	_ =	shalt  }
0x4a: {  	_ =	shalt  }
0x4b: {  	_ =	shalt  }
0x4c: {  	_ =	shalt  }
0x4d: {  	_ =	shalt  }
0x4e: {  	_ =	shalt  }
0x4f: {  	_ =	shalt  }
0x50: {  	_ =	shalt  }
0x51: {  	_ =	shalt  }
0x52: {  	_ =	shalt  }
0x53: {  	_ =	shalt  }
0x54: {  	_ =	shalt  }
0x55: {  	_ =	shalt  }
0x56: {  	_ =	shalt  }
0x57: {  	_ =	shalt  }
0x58: {  	_ =	shalt  }
0x59: {  	_ =	shalt  }
0x5a: {  	_ =	shalt  }
0x5b: {  	_ =	shalt  }
0x5c: {  	_ =	shalt  }
0x5d: {  	_ =	shalt  }
0x5e: {  	_ =	shalt  }
0x5f: {  	_ =	shalt  }
0x60: {  	_ =	shalt  }
0x61: {  	_ =	shalt  }
0x62: {  	_ =	shalt  }
0x63: {  	_ =	shalt  }
0x64: {  	_ =	shalt  }
0x65: {  	_ =	shalt  }
0x66: {  	_ =	shalt  }
0x67: {  	_ =	shalt  }
0x68: {  	_ =	shalt  }
0x69: {  	_ =	shalt  }
0x6a: {  	_ =	shalt  }
0x6b: {  	_ =	shalt  }
0x6c: {  	_ =	shalt  }
0x6d: {  	_ =	shalt  }
0x6e: {  	_ =	shalt  }
0x6f: {  	_ =	shalt  }
0x70: {  	_ =	shalt  }
0x71: {  	_ =	shalt  }
0x72: {  	_ =	shalt  }
0x73: {  	_ =	shalt  }
0x74: {  	_ =	shalt  }
0x75: {  	_ =	shalt  }
0x76: {  	_ =	shalt  }
0x77: {  	_ =	shalt  }
0x78: {  	_ =	shalt  }
0x79: {  	_ =	shalt  }
0x7a: {  	_ =	shalt  }
0x7b: {  	_ =	shalt  }
0x7c: {  	_ =	shalt  }
0x7d: {  	_ =	shalt  }
0x7e: {  	_ =	shalt  }
0x7f: {  	_ =	shalt  }
0x80: {  	_ =	shalt  }
0x81: {  	_ =	shalt  }
0x82: {  	_ =	shalt  }
0x83: {  	_ =	shalt  }
0x84: {  	_ =	shalt  }
0x85: {  	_ =	shalt  }
0x86: {  	_ =	shalt  }
0x87: {  	_ =	shalt  }
.Lfunc_end0:
.L_simem_size_0:
called_computation_lowered:
.L_overlay_start_0:
0x88: {  	s2 =	sld [smem:$0x3FD9]  }
0x89: {  	s3 =	sld [smem:$0x3FFE];
	_ =	sdelay $0x1  }
0x8a: {  	s1 =	srdreg.scid  }
0x8b: {  	s0 =	sand.u32 $0x1, s1  }
0x8c: {  	s18 =	sshll.u32 s0, $0xA;
	s2 =	sadd.s32 s3, s2  }
0x8d: {  	s2 =	sadd.s32 s2, s18  }
0x8e: {  	[smem:$0x3FC6] =	sst s2  }
0x8f: {  	_ = 	snop  }
0x90: {  	s2 =	sld [smem:$0x3FC9]  }
0x91: {  	s19 =	sld [smem:$0x3FC8]  }
0x92: {  	s4 =	sld [smem:$0x3FD0];
	(tm) =	ssettm $0x1  }
0x93: {  	s5 =	sld [smem:$0x3FFB];
	_ =	sdelay $0x3  }
0x94: {  	_ =	strace s5  }
0x95: {  	s5 =	sld [smem:$0x3FFC];
	_ =	sdelay $0x3  }
0x96: {  	_ =	strace s5  }
0x97: {  	s5 =	sld [smem:$0x3FFD];
	_ =	sdelay $0x3  }
0x98: {  	_ =	strace s5  }
0x99: {  	_ =	strace $0x8FFFFFFF  }
0x9a: {  	s20 =	sld [smem:$0x3FDB];
	_ =	sdelay $0x1  }
0x9b: {  	s6 =	simm.s32 $_scs_section_size  }
0x9c: {  	s7 =	simm.s32 $_size__tile_overlayer_lowered;
	s8 =	simm.s32 $_tile_overlayer_lowered  }
0x9d: {  	s23 =	simm.s32 $0x1BFF;
	s22 =	sshll.u32 s8, $0x1;
	s5 =	sadd.s32 s6, s20  }
0x9e: {  	s9 =	simm.s32 $0x0;
	s21 =	sshll.u32 s7, $0x1;
	s7 =	sadd.s32 s22, s5  }
0x9f: {  	[timem:s9], [sflag:s23] =	dma.local [hbm:s7], s21  }
0xa0: {  	_ =	swait.ge [sflag:s23], s21  }
0xa1: {  	s6 =	ssub.s32 $0x0, s21;
	[sflag:s23] =	ssyncset.done $0x0  }
0xa2: {  	[sflag:s23] =	ssyncadd.s32 s6;
	_ =	sdelay $0x1  }
0xa3: {  	s24 =	simm.s32 $0x1B8B  }
0xa4: {  	_ =	swait.ge [sflag:s24], $0x1  }
0xa5: {  	[sflag:s24] =	ssyncset.done $0x0  }
0xa6: {  	s25 =	simm.s32 $0x1B8E;
	[sflag:s24] =	ssyncadd.s32 $0xFFFFFFFF  }
0xa7: {  	s26 =	simm.s32 $execute0_lowered;
	[smem:$0x3FD2] =	sst s25  }
0xa8: {  	s6 =	sshll.u32 s26, $0x1;
	_ =	strace $0x80000046;
	[dreg:$0x1] =	wrdreg $0xFFFFFFFF  }
0xa9: {  	s28 =	simm.s32 $_size_execute0_lowered;
	s5 =	sadd.s32 s5, s6;
	[dreg:$0x0] =	wrdreg $0x0  }
0xaa: {  	s6 =	sshll.u32 s28, $0x1;
	[dreg:$0x2] =	wrdreg s5  }
0xab: {  	[dreg:$0x3] =	wrdreg s6  }
0xac: {  	[dreg:$0x4] =	wrdreg $0xC0  }
0xad: {  	_ =	task [dreg:s9], $0x5FFFF  }
0xae: {  	[dreg:$0x1] =	wrdreg $0xFFFFFFFF  }
0xaf: {  	[dreg:$0x0] =	wrdreg $0x60  }
0xb0: {  	[dreg:$0x2] =	wrdreg s2  }
0xb1: {  	[dreg:$0x3] =	wrdreg s19  }
0xb2: {  	[dreg:$0x4] =	wrdreg s4  }
0xb3: {  	[dreg:$0x5] =	wrdreg $0x800  }
0xb4: {  	[dreg:$0x6] =	wrdreg $0x9  }
0xb5: {  	_ =	task.clear_ibuf [dreg:s9], $0x7FFFF;
	_ =	strace $0x90000046  }
0xb6: {  	s29 =	simm.s32 $0x9;
	_ =	strace $0x80000048  }
0xb7: {  	_ =	swait.ge [sflag:s29], $0x1  }
0xb8: {  	[sflag:s29] =	ssyncadd.s32 $0xFFFFFFFF  }
0xb9: {  	_ =	strace $0x90000048  }
0xba: {  	_ =	sfence  }
0xbb: {  	s30 =	sld [smem:$0x0];
	_ =	sdelay $0x2  }
0xbc: {  	s31 =	sshll.u32 s1, $0xD;
	s1 =	sshrl.u32 s1, $0x2  }
0xbd: {  	s3 =	sand.u32 $0x4000, s31;
	s1 =	sadd.s32 s1, s30  }
0xbe: {  	s0 =	sor.u32 s3, s0;
	s1 =	sshll.u32 s1, $0x11  }
0xbf: {  	s0 =	sor.u32 s1, s0  }
0xc0: {  	s0 =	sadd.s32 $0x8F2B, s0  }
0xc1: {  	[sflag:s0] =	ssyncadd.remote.s32 $0x1  }
0xc2: {  	_ =	sfence.sel $0xFFFF  }
0xc3: {  	[dreg:$0x0] =	wrdreg $0xFFFFFFFF;
	(pc) =	sbr.abs _section_cstart, $3  }
0xc4: {  	[dreg:$0x1] =	wrdreg $0xFFFFFFFF  }
0xc5: {  	_ =	task.clear_ibuf [dreg:s9], $0x2FFFF;
	_ =	strace $0x9FFFFFFF  }
0xc6: {  	(tm) =	ssettm $0x7FFFFFFF  }
0xc7: {  	_ =	shalt  }
tec
execute0_lowered:
.L_overlay_start_1:
0x0: {  	(tag) =	ssettag $0x1  }
0x1: {  	s1 =	rddreg [dreg:$0x0]  }
0x2: {  	s3 =	rddreg [dreg:$0x2]  }
0x3: {  	s0 =	rddreg [dreg:$0x3]  }
0x4: {  	s2 =	srdreg.scid;
	s4 =	simm.s32 $0x0;
	s5 =	stileid.u32  }
0x5: {  	s18 =	simm.s32 $0x3;
	s19 =	simm.s32 $0x2;
	s21 =	simm.s32 $0x4  }
0x6: {  	s22 =	simm.s32 $0x1;
	s23 =	simm.s32 $0x0;
	s2 =	sand.u32 $0x1, s2  }
0x7: {  	[smem:$0x7FF] =	sst s4;
	s25 =	sshll.u32 s5, $0x3;
	s7 =	sshll.u32 s5, $0x10  }
0x8: {  	s31 =	sshll.u32 s5, $0x6;
	s6 =	sshll.u32 s2, $0x2;
	_ =	strace $0x80000047  }
0x9: {  	s2 =	ssub.s32 $0x2, s2;
	s0 =	sadd.s32 s7, s0;
	s13 =	sor.u32 $0x1C01, s31  }
0xa: {  	s15 =	sor.u32 $0x1C02, s31;
	s6 =	sor.u32 s6, s25;
	s26 =	sshrl.u32 s2, $0x1  }
0xb: {  	s17 =	sor.u32 $0x1C03, s31;
	s8 =	sshll.u32 s6, $0xF;
	s2 =	ssub.s32 s2, s26  }
0xc: {  	s20 =	sor.u32 $0x1C04, s31;
	s7 =	sadd.s32 s8, s3;
	s2 =	smax.u32 s2, $0x1  }
0xd: {  	v0 =	vlaneseq.u32;
	s28 =	sadd.s32 $0x8000, s0;
	[dreg:$0x5] =	wrdreg s2;
	s29 =	sadd.s32 $0x1000, s7  }
0xe: {  	s14 =	sshrl.u32 s0, $0x3;
	v0 =	vadd.s32 s6, v0;
	s30 =	sadd.s32 $0x1E000, s7;
	[dreg:$0x6] =	wrdreg s29  }
0xf: {  	s16 =	sshrl.u32 s28, $0x3;
	v0 =	vmin.u32 v0, $0x7F;
	s11 =	sadd.s32 $0x1F000, s7;
	[dreg:$0x7] =	wrdreg s30  }
.LBB2_1:
0x10: {  	[tilespmem:$0x0] =	vst v0;
	s0 =	rddreg [dreg:$0x1];
	s2 =	simm.s32 $0x0;
	s4 =	simm.s32 $0x10  }
0x11: {  	[tilespmem:s4], [sflag:$0x1] =	stream.indirect.gather [hbm4b:s0+s4], $0x1, s2, s4, $0xb8;
	[tilespmem:$0x10080] =	vst v63  }
0x12: {  	_ =	swait.ge [sflag:s22], $0x10  }
0x13: {  	[sflag:s22] =	ssyncset.done $0x0  }
0x14: {  	[sflag:s22] =	ssyncadd.s32 $0xFFFFFFF0  }
0x15: {  	v1 =	vld [tilespmem:$0x10];
	_ =	sdelay $0x4  }
0x16: {  	(v2sf) =	vpush v1, $0x0  }
0x17: {  	(v2sf) =	vpush v1, $0x1  }
0x18: {  	(v2sf) =	vpush v1, $0x2  }
0x19: {  	(v2sf) =	vpush v1, $0x3;
	_ =	sdelay $0xb  }
0x1a: {  	s8 =	spop (v2sf)  }
0x1b: {  	s26 =	spop (v2sf);
	s4 =	sshll.u32 s8, $0xF  }
0x1c: {  	s28 =	spop (v2sf);
	s0 =	sand.u32 $0x1FFF8000, s4  }
0x1d: {  	s24 =	spop (v2sf);
	s0 =	sadd.s32 s1, s0  }
0x1e: {  	[spmem:s14], [sflag:s13] =	dma.local [hbm:s0], $0x1000  }
0x1f: {  	s5 =	sadd.s32 $0x1000, s0  }
0x20: {  	[spmem:s16], [sflag:s15] =	dma.local [hbm:s5], $0x1000  }
0x21: {  	s29 =	simm.s32 $0x2000;
	_ =	swait.ge [sflag:s22], $0x1000  }
0x22: {  	p0 =	por $0x0, $0x0;
	s30 =	simm.s32 $0x20000;
	[sflag:s22] =	ssyncset.done $0x0  }
0x23: {  	p1 =	por $0x0, $0x0;
	s10 =	simm.s32 $0x10000;
	[sflag:s22] =	ssyncadd.s32 $0xFFFFF000  }
0x24: {  	[hbm:s7], [sflag:s17] =	dma.local [spmem:s14], $0x1000  }
0x25: {  	s12 =	simm.s32 $0x0;
	p2 =	por $0x0, $0x0;
	_ =	swait.ge [sflag:s18], $0x1000  }
0x26: {  	s2 =	sand.u32 $0x30000, s10;
	s25 =	sand.u32 $0x6000, s29;
	[sflag:s18] =	ssyncset.done $0x0  }
0x27: {  	s2 =	sor.u32 $0x8000, s2;
	s0 =	sadd.s32 $0x2000, s0;
	[sflag:s18] =	ssyncadd.s32 $0xFFFFF000  }
0x28: {  	[spmem:s14], [sflag:s13] =	dma.local [hbm:s0], $0x1000  }
0x29: {  	s4 =	sor.u32 s6, s12;
	s5 =	smov.u32 s8;
	s0 =	smov.u32 s8  }
0x2a: {  	_ =	swait.ge [sflag:s19], $0x1000;
	s0 =	smov.u32 @p0 s26;
	p0 =	por $0x0, $0x0  }
0x2b: {  	[sflag:s19] =	ssyncset.done $0x0;
	s9 =	rddreg [dreg:$0x6];
	s0 =	smov.u32 @p1 s28  }
0x2c: {  	p1 =	por $0x0, $0x0;
	[sflag:s19] =	ssyncadd.s32 $0xFFFFF000;
	s0 =	smov.u32 @p0 s24  }
0x2d: {  	[hbm:s9], [sflag:s20] =	dma.local [spmem:s16], $0x1000  }
0x2e: {  	p0 =	por $0x0, $0x0;
	s5 =	smov.u32 @p1 s26;
	s0 =	sshll.u32 s0, $0x12  }
0x2f: {  	s31 =	sshll.u32 s4, $0x12;
	s5 =	smov.u32 @p0 s28;
	s0 =	sor.u32 s2, s0  }
0x30: {  	s2 =	sor.u32 s2, s31;
	s31 =	sand.u32 $0x30000, s30;
	_ =	swait.ge [sflag:s21], $0x1000  }
0x31: {  	s5 =	smov.u32 @p2 s24;
	s0 =	sshrl.u32 s0, $0x3;
	[sflag:s21] =	ssyncset.done $0x0  }
0x32: {  	s5 =	sshll.u32 s5, $0x12;
	[sflag:s21] =	ssyncadd.s32 $0xFFFFF000;
	s0 =	sadd.s32 s1, s0  }
0x33: {  	[spmem:s16], [sflag:s15] =	dma.local [hbm:s0], $0x1000  }
0x34: {  	s4 =	sshll.u32 s4, $0xF;
	s5 =	sor.u32 s31, s5;
	_ =	swait.ge [sflag:s22], $0x1000  }
0x35: {  	s31 =	simm.s32 $0x2;
	s0 =	sadd.s32 s3, s25;
	[sflag:s22] =	ssyncset.done $0x0  }
0x36: {  	s0 =	sadd.s32 s4, s0;
	s4 =	sshrl.u32 s2, $0x3;
	[sflag:s22] =	ssyncadd.s32 $0xFFFFF000  }
0x37: {  	[hbm:s0], [sflag:s17] =	dma.local [spmem:s14], $0x1000  }
0x38: {  	s2 =	sshrl.u32 s5, $0x3;
	s0 =	simm.s32 $0x4;
	_ =	swait.ge [sflag:s18], $0x1000  }
.LBB2_2:
0x39: {  	s29 =	sadd.s32 $0x2000, s29;
	s30 =	sadd.s32 $0x10000, s30  }
0x3a: {  	s0 =	sadd.s32 $0x2, s0;
	s5 =	sshrl.u32 s31, $0x2;
	s2 =	sadd.s32 s1, s2  }
0x3b: {  	s4 =	sadd.s32 s3, s4;
	s25 =	smov.u32 s8;
	p0 =	seq.s32 s5, $0x2  }
0x3c: {  	p1 =	seq.s32 s5, $0x1;
	s12 =	sor.u32 s6, s5;
	s10 =	sadd.s32 $0xFFFF0000, s30  }
0x3d: {  	s25 =	smov.u32 @p1 s26;
	s9 =	sshll.u32 s12, $0x12;
	[sflag:s18] =	ssyncset.done $0x0  }
0x3e: {  	p1 =	seq.s32 s5, $0x3;
	s5 =	sand.u32 $0x30000, s10;
	s25 =	smov.u32 @p0 s28  }
0x3f: {  	s10 =	sshll.u32 s12, $0xF;
	s25 =	smov.u32 @p1 s24;
	[sflag:s18] =	ssyncadd.s32 $0xFFFFF000  }
0x40: {  	[spmem:s14], [sflag:s13] =	dma.local [hbm:s2], $0x1000  }
0x41: {  	s2 =	sor.u32 $0x8000, s5;
	s5 =	sshll.u32 s25, $0x12;
	_ =	swait.ge [sflag:s19], $0x1000  }
0x42: {  	s12 =	sshrl.u32 s0, $0x3;
	s5 =	sor.u32 s2, s5;
	[sflag:s19] =	ssyncset.done $0x0  }
0x43: {  	p0 =	sne.s32 s31, $0xE;
	s5 =	sshrl.u32 s5, $0x3;
	[sflag:s19] =	ssyncadd.s32 $0xFFFFF000  }
0x44: {  	[hbm:s4], [sflag:s20] =	dma.local [spmem:s16], $0x1000  }
0x45: {  	p2 =	seq.s32 s12, $0x1;
	p1 =	seq.s32 s12, $0x2;
	s2 =	sor.u32 s2, s9  }
0x46: {  	s9 =	sand.u32 $0x30000, s30;
	s4 =	sshrl.u32 s2, $0x3;
	s2 =	smov.u32 s8  }
0x47: {  	p3 =	seq.s32 s12, $0x3;
	s2 =	smov.u32 @p2 s26;
	_ =	swait.ge [sflag:s21], $0x1000  }
0x48: {  	s12 =	sand.u32 $0x6000, s29;
	s2 =	smov.u32 @p1 s28;
	[sflag:s21] =	ssyncset.done $0x0  }
0x49: {  	s5 =	sadd.s32 s1, s5;
	s2 =	smov.u32 @p3 s24;
	[sflag:s21] =	ssyncadd.s32 $0xFFFFF000  }
0x4a: {  	[spmem:s16], [sflag:s15] =	dma.local [hbm:s5], $0x1000  }
.Ltmp0:
0x4b: {  	s2 =	sshll.u32 s2, $0x12;
	_ =	swait.ge [sflag:s22], $0x1000;
	(pc) =	sbr.rel @p0 .LBB2_2-.Ltmp0, $4  }
0x4c: {  	s2 =	sor.u32 s9, s2;
	s5 =	sadd.s32 s3, s12;
	[sflag:s22] =	ssyncset.done $0x0  }
0x4d: {  	s2 =	sshrl.u32 s2, $0x3;
	s5 =	sadd.s32 s10, s5;
	[sflag:s22] =	ssyncadd.s32 $0xFFFFF000  }
0x4e: {  	[hbm:s5], [sflag:s17] =	dma.local [spmem:s14], $0x1000  }
0x4f: {  	s31 =	sadd.s32 $0x1, s31;
	_ =	swait.ge [sflag:s18], $0x1000  }
0x50: {  	[sflag:s18] =	ssyncset.done $0x0  }
0x51: {  	s0 =	sadd.s32 s1, s2;
	[sflag:s18] =	ssyncadd.s32 $0xFFFFF000  }
0x52: {  	[spmem:s14], [sflag:s13] =	dma.local [hbm:s0], $0x1000  }
0x53: {  	_ =	swait.ge [sflag:s19], $0x1000  }
0x54: {  	[sflag:s19] =	ssyncset.done $0x0  }
0x55: {  	s28 =	sadd.s32 s3, s4;
	s29 =	sshll.u32 s24, $0xF;
	[sflag:s19] =	ssyncadd.s32 $0xFFFFF000  }
0x56: {  	[hbm:s28], [sflag:s20] =	dma.local [spmem:s16], $0x1000  }
0x57: {  	s0 =	sand.u32 $0x1FFF8000, s29;
	_ =	swait.ge [sflag:s21], $0x1000  }
0x58: {  	s0 =	sadd.s32 s0, s1;
	[sflag:s21] =	ssyncset.done $0x0  }
0x59: {  	s0 =	sadd.s32 $0x7000, s0;
	[sflag:s21] =	ssyncadd.s32 $0xFFFFF000  }
0x5a: {  	[spmem:s16], [sflag:s15] =	dma.local [hbm:s0], $0x1000  }
0x5b: {  	_ =	swait.ge [sflag:s22], $0x1000  }
0x5c: {  	[sflag:s22] =	ssyncset.done $0x0  }
0x5d: {  	s30 =	rddreg [dreg:$0x7];
	[sflag:s22] =	ssyncadd.s32 $0xFFFFF000  }
0x5e: {  	[hbm:s30], [sflag:s17] =	dma.local [spmem:s14], $0x1000  }
0x5f: {  	_ =	swait.ge [sflag:s19], $0x1000  }
0x60: {  	[sflag:s19] =	ssyncset.done $0x0  }
0x61: {  	[sflag:s19] =	ssyncadd.s32 $0xFFFFF000  }
0x62: {  	[hbm:s11], [sflag:s20] =	dma.local [spmem:s16], $0x1000  }
0x63: {  	_ =	swait.ge [sflag:s18], $0x1000  }
0x64: {  	[sflag:s18] =	ssyncset.done $0x0  }
0x65: {  	[sflag:s18] =	ssyncadd.s32 $0xFFFFF000  }
0x66: {  	_ =	swait.ge [sflag:s21], $0x1000  }
0x67: {  	s23 =	sadd.s32 $0x1, s23;
	s31 =	rddreg [dreg:$0x5]  }
0x68: {  	p0 =	sne.s32 s23, s31  }
.Ltmp1:
0x69: {  	_ = 	snop;
	(pc) =	sbr.rel @p0 .LBB2_1-.Ltmp1, $3  }
0x6a: {  	_ =	sdelay $0x1  }
0x6b: {  	[sflag:s21] =	ssyncset.done $0x0  }
0x6c: {  	[sflag:s21] =	ssyncadd.s32 $0xFFFFF000  }
0x6d: {  	_ =	sfence.sel $0x180000  }
0x6e: {  	[bflag:$0x0] =	sbarrier.arrive $0xFFFF  }
0x6f: {  	_ =	strace $0x90000047  }
0x70: {  	s0 =	stileid.u32;
	[bflag:$0x2] =	sbarrier.arrive $0xFFFF  }
0x71: {  	p0 =	sne.s32 s0, $0x0;
	s0 =	rddreg [dreg:$0x4]  }
0x72: {  	s0 =	sadd.s32 @!p0 $0x100000, s0  }
0x73: {  	[sflag:s0] =	ssyncadd.tile.s32 @!p0 $0x1;
	_ =	shalt  }
.Lfunc_end2:
_tile_overlayer_lowered:
.L_overlay_start_2:
0x74: {  	(tag) =	ssettag $0x2  }
0x75: {  	s0 =	rddreg [dreg:$0x0];
	s2 =	stileid.u32  }
0x76: {  	s1 =	rddreg [dreg:$0x1];
	p0 =	sne.s32 s2, $0x0  }
0x77: {  	s3 =	rddreg [dreg:$0x2];
	[bflag:$0x3] =	sbarrier.arrive $0xFFFF;
	s2 =	simm.s32 @!p0 $0x1C05  }
0x78: {  	[timem:s3], [sflag:s2] =	dma.local @!p0 [hbm:s0], s1  }
0x79: {  	s0 =	simm.s32 @!p0 $0x5  }
0x7a: {  	_ =	swait.ge @!p0 [sflag:s0], s1  }
0x7b: {  	s1 =	ssub.s32 @!p0 $0x0, s1;
	[sflag:s0] =	ssyncset.done @!p0 $0x0  }
0x7c: {  	[sflag:s0] =	ssyncadd.s32 @!p0 s1  }
0x7d: {  	[bflag:$0x3] =	sbarrier.arrive $0xFFFF  }
0x7e: {  	_ =	shalt  }

</sc_bundles>
